<compile_context>
chip_gen: v7x
topology: tpu7x:2x2x1
jax: 0.10.2.dev20260603
libtpu: 0.0.44.dev20260713+nightly
codegen_flags: <defaults>
</compile_context>

<pallas_src>
import functools

import jax
import jax.numpy as jnp
from jax.experimental import pallas as pl
from jax.experimental.pallas import tpu as pltpu


def _moe_body(x_ref, w1_ref, w2_ref, rw_ref, o_ref, acc_ref, *, d, n_e):
    e = pl.program_id(1)
    x = x_ref[...]
    gu = jnp.dot(x, w1_ref[0], preferred_element_type=jnp.float32)
    gate = gu[:, :d]
    up = gu[:, d:]
    rw_all = rw_ref[...]
    mask = jax.lax.broadcasted_iota(jnp.int32, rw_all.shape, 1) == e
    rw = jnp.sum(jnp.where(mask, rw_all, 0.0), axis=1, keepdims=True)
    g = up * (gate * jax.nn.sigmoid(gate)) * rw
    y = jnp.dot(g.astype(jnp.bfloat16), w2_ref[0],
                preferred_element_type=jnp.float32)

    @pl.when(e == 0)
    def _():
        acc_ref[...] = y

    @pl.when(e != 0)
    def _():
        acc_ref[...] += y

    @pl.when(e == n_e - 1)
    def _():
        o_ref[...] = acc_ref[...].astype(jnp.bfloat16)


def kernel(hidden_states, routing_weights, router_indices, gate_up_proj, down_proj):
    del router_indices
    t, h = hidden_states.shape
    n_e = routing_weights.shape[1]
    d2 = gate_up_proj.shape[1]
    d = d2 // 2
    w1 = gate_up_proj.reshape(n_e, h, d2).astype(jnp.bfloat16)
    w2 = down_proj.reshape(n_e, d, h).astype(jnp.bfloat16)
    x16 = hidden_states.astype(jnp.bfloat16)
    tb = min(t, 1024)
    out = pl.pallas_call(
        functools.partial(_moe_body, d=d, n_e=n_e),
        grid=(t // tb, n_e),
        in_specs=[
            pl.BlockSpec((tb, h), lambda i, e: (i, 0)),
            pl.BlockSpec((1, h, d2), lambda i, e: (e, 0, 0)),
            pl.BlockSpec((1, d, h), lambda i, e: (e, 0, 0)),
            pl.BlockSpec((tb, n_e), lambda i, e: (i, 0)),
        ],
        out_specs=pl.BlockSpec((tb, h), lambda i, e: (i, 0)),
        out_shape=jax.ShapeDtypeStruct((t, h), jnp.bfloat16),
        scratch_shapes=[pltpu.VMEM((tb, h), jnp.float32)],
        compiler_params=pltpu.CompilerParams(
            dimension_semantics=("parallel", "arbitrary"),
            vmem_limit_bytes=64 * 1024 * 1024,
        ),
    )(x16, w1, w2, routing_weights)
    return out.astype(jnp.float32).reshape(t, 1, h)

# --- scband reference (transcript-rebuilt; emitter-appended) ---
"""Pipeline reference for scband-qwen3-vlmoe-text-experts-38843684225327 (READ-ONLY COPY).

The authoritative reference and input builder live on the scoring server;
editing this copy changes nothing except your own understanding.
"""

import jax, jax.numpy as jnp
import numpy as np

E = 8
TOPK = 2
H = 2048
D = 768
T = 4096


def setup_inputs(seed: int = 0) -> dict:
    key = jax.random.key(seed)
    k1, k2, k3, k4, k5 = jax.random.split(key, 5)
    hidden_states = jax.random.normal(k1, (T, H), dtype=jnp.float32)
    routing_weights = jax.random.uniform(k2, (T, E), dtype=jnp.float32)
    router_indices = jax.random.randint(k3, (T, TOPK), 0, E, dtype=jnp.int64)
    gate_up_proj = jax.random.normal(k4, (E * H, 2 * D), dtype=jnp.float32) * 0.02
    down_proj = jax.random.normal(k5, (E * D, H), dtype=jnp.float32) * 0.02
    return {
        "hidden_states": hidden_states,
        "routing_weights": routing_weights,
        "router_indices": router_indices,
        "gate_up_proj": gate_up_proj,
        "down_proj": down_proj,
    }


def reference(hidden_states, routing_weights, router_indices, gate_up_proj, down_proj):
    # inference (eval) path of Qwen3VLMoeTextExperts.forward with router_logits=None
    gup = gate_up_proj.reshape(E, H, 2 * D)   # _view_experts_weight
    dp = down_proj.reshape(E, D, H)
    batch_size = hidden_states.shape[0]
    hs = hidden_states.reshape(-1, H)
    # hidden_states.repeat(num_experts, 1).view(E, -1, H)
    hs = jnp.broadcast_to(hs[None, :, :], (E, hs.shape[0], H))
    gate_up = jnp.matmul(hs, gup)             # torch.bmm -> [E, T, 2D]
    gate = gate_up[..., :D]
    up = gate_up[..., D:]
    gated = up * jax.nn.silu(gate)            # act_fn = silu
    next_states = jnp.matmul(gated, dp)       # [E, T, H]
    next_states = next_states.reshape(E, batch_size, -1, H)
    rw = jnp.transpose(routing_weights, (1, 0)).reshape(E, batch_size, -1)[..., None]
    next_states = next_states * rw
    next_states = next_states.sum(axis=0)     # [batch_size, 1, H]
    return next_states

if __name__ == "__main__":
    import jax
    _d = setup_inputs()
    print(jax.jit(kernel)(*tuple(_d.values())))

</pallas_src>

<mosaic_0001>
module attributes {stable_mosaic.version = 14 : i64} {
  func.func @_moe_body(%arg0: i32, %arg1: i32, %arg2: memref<1024x2048xbf16, #tpu.memory_space<vmem>>, %arg3: memref<1x2048x1536xbf16, #tpu.memory_space<vmem>>, %arg4: memref<1x768x2048xbf16, #tpu.memory_space<vmem>>, %arg5: memref<1024x8xf32, #tpu.memory_space<vmem>>, %arg6: memref<1024x2048xbf16, #tpu.memory_space<vmem>>, %arg7: memref<1024x2048xf32, #tpu.memory_space<vmem>>) attributes {dimension_semantics = [#tpu.dimension_semantics<parallel>, #tpu.dimension_semantics<arbitrary>], iteration_bounds = array<i64: 4, 8>, scalar_prefetch = 0 : i64, scratch_operands = 1 : i64, tpu.core_type = #tpu.core_type<tc>, window_params = [{transform_indices = @transform_0, window_bounds = array<i64: 1024, 2048>}, {transform_indices = @transform_1, window_bounds = array<i64: 1, 2048, 1536>}, {transform_indices = @transform_2, window_bounds = array<i64: 1, 768, 2048>}, {transform_indices = @transform_3, window_bounds = array<i64: 1024, 8>}, {transform_indices = @transform_4, window_bounds = array<i64: 1024, 2048>}]} {
    %get3A = arith.constant 0 : index
    %get3A_0 = arith.constant 0 : index
    %get3A_1 = vector.load %arg2[%get3A, %get3A_0] : memref<1024x2048xbf16, #tpu.memory_space<vmem>>, vector<1024x2048xbf16>
    %get3A_2 = arith.constant 0 : index
    %get3A_3 = arith.constant 0 : index
    %get3A_4 = arith.constant 0 : index
    %get3A_5 = vector.load %arg3[%get3A_2, %get3A_3, %get3A_4] : memref<1x2048x1536xbf16, #tpu.memory_space<vmem>>, vector<1x2048x1536xbf16>
    %get3A_6 = vector.shape_cast %get3A_5 : vector<1x2048x1536xbf16> to vector<2048x1536xbf16>
    %dot_general3A = arith.constant dense<0.000000e+00> : vector<1024x1536xf32>
    %dot_general3A_7 = tpu.matmul %get3A_1, %get3A_6, %dot_general3A {dimension_numbers = #tpu.dot_dimension_numbers<[1], [0], [0], [1], [0, 0, 1, 1], [], []>, transpose_lhs_hint = false} : vector<1024x2048xbf16>, vector<2048x1536xbf16>, vector<1024x1536xf32> -> vector<1024x1536xf32>
    %slice3A = vector.extract_strided_slice %dot_general3A_7 {offsets = [0, 0], sizes = [1024, 768], strides = [1, 1]} : vector<1024x1536xf32> to vector<1024x768xf32>
    %slice3A_8 = vector.extract_strided_slice %dot_general3A_7 {offsets = [0, 768], sizes = [1024, 768], strides = [1, 1]} : vector<1024x1536xf32> to vector<1024x768xf32>
    %get3A_9 = arith.constant 0 : index
    %get3A_10 = arith.constant 0 : index
    %get3A_11 = vector.load %arg5[%get3A_9, %get3A_10] : memref<1024x8xf32, #tpu.memory_space<vmem>>, vector<1024x8xf32>
    %iota3A = tpu.iota {dimensions = array<i32: 1>} : vector<1024x8xi32>
    %eq3A = vector.broadcast %arg1 : i32 to vector<1024x8xi32>
    %eq3A_12 = arith.cmpi eq, %iota3A, %eq3A : vector<1024x8xi32>
    %jit3A = arith.constant 0.000000e+00 : f32
    %broadcast_in_dim3A = vector.broadcast %jit3A : f32 to vector<1024x8xf32>
    %select_n3A = arith.select %eq3A_12, %get3A_11, %broadcast_in_dim3A : vector<1024x8xi1>, vector<1024x8xf32>
    %reduce_sum3A = arith.constant dense<0.000000e+00> : vector<1024xf32>
    %reduce_sum3A_13 = vector.multi_reduction <add>, %select_n3A, %reduce_sum3A [1] : vector<1024x8xf32> to vector<1024xf32>
    %broadcast_in_dim3A_14 = vector.shape_cast %reduce_sum3A_13 : vector<1024xf32> to vector<1024x1xf32>
    %logistic3A = arith.negf %slice3A : vector<1024x768xf32>
    %logistic3A_15 = math.exp %logistic3A : vector<1024x768xf32>
    %logistic3A_16 = arith.constant 1.000000e+00 : f32
    %logistic3A_17 = vector.broadcast %logistic3A_16 : f32 to vector<1024x768xf32>
    %logistic3A_18 = arith.addf %logistic3A_17, %logistic3A_15 : vector<1024x768xf32>
    %logistic3A_19 = arith.divf %logistic3A_17, %logistic3A_18 : vector<1024x768xf32>
    %mul3A = arith.mulf %slice3A, %logistic3A_19 : vector<1024x768xf32>
    %mul3A_20 = arith.mulf %slice3A_8, %mul3A : vector<1024x768xf32>
    %mul3A_21 = vector.broadcast %broadcast_in_dim3A_14 : vector<1024x1xf32> to vector<1024x768xf32>
    %mul3A_22 = arith.mulf %mul3A_20, %mul3A_21 : vector<1024x768xf32>
    %convert_element_type3A = arith.truncf %mul3A_22 : vector<1024x768xf32> to vector<1024x768xbf16>
    %get3A_23 = arith.constant 0 : index
    %get3A_24 = arith.constant 0 : index
    %get3A_25 = arith.constant 0 : index
    %get3A_26 = vector.load %arg4[%get3A_23, %get3A_24, %get3A_25] : memref<1x768x2048xbf16, #tpu.memory_space<vmem>>, vector<1x768x2048xbf16>
    %get3A_27 = vector.shape_cast %get3A_26 : vector<1x768x2048xbf16> to vector<768x2048xbf16>
    %dot_general3A_28 = arith.constant dense<0.000000e+00> : vector<1024x2048xf32>
    %dot_general3A_29 = tpu.matmul %convert_element_type3A, %get3A_27, %dot_general3A_28 {dimension_numbers = #tpu.dot_dimension_numbers<[1], [0], [0], [1], [0, 0, 1, 1], [], []>, transpose_lhs_hint = false} : vector<1024x768xbf16>, vector<768x2048xbf16>, vector<1024x2048xf32> -> vector<1024x2048xf32>
    %eq3A_30 = arith.constant 0 : i32
    %eq3A_31 = arith.cmpi eq, %arg1, %eq3A_30 : i32
    %convert_element_type3A_32 = arith.extui %eq3A_31 : i1 to i32
    %cond3A = arith.constant 0 : i32
    %cond3A_33 = arith.cmpi ne, %convert_element_type3A_32, %cond3A : i32
    scf.if %cond3A_33 {
      %swap3A = arith.constant 0 : index
      %swap3A_43 = arith.constant 0 : index
      %swap3A_44 = vector.load %arg7[%swap3A, %swap3A_43] : memref<1024x2048xf32, #tpu.memory_space<vmem>>, vector<1024x2048xf32>
      tpu.vector_store %arg7[%swap3A, %swap3A_43], %dot_general3A_29 {strides = array<i32>} : memref<1024x2048xf32, #tpu.memory_space<vmem>>, vector<1024x2048xf32>,
    } else {
    }
    %ne3A = arith.constant 0 : i32
    %ne3A_34 = arith.cmpi ne, %arg1, %ne3A : i32
    %convert_element_type3A_35 = arith.extui %ne3A_34 : i1 to i32
    %cond3A_36 = arith.constant 0 : i32
    %cond3A_37 = arith.cmpi ne, %convert_element_type3A_35, %cond3A_36 : i32
    scf.if %cond3A_37 {
      %get3A_43 = arith.constant 0 : index
      %get3A_44 = arith.constant 0 : index
      %get3A_45 = vector.load %arg7[%get3A_43, %get3A_44] : memref<1024x2048xf32, #tpu.memory_space<vmem>>, vector<1024x2048xf32>
      %add3A = arith.addf %get3A_45, %dot_general3A_29 : vector<1024x2048xf32>
      %swap3A = arith.constant 0 : index
      %swap3A_46 = arith.constant 0 : index
      %swap3A_47 = vector.load %arg7[%swap3A, %swap3A_46] : memref<1024x2048xf32, #tpu.memory_space<vmem>>, vector<1024x2048xf32>
      tpu.vector_store %arg7[%swap3A, %swap3A_46], %add3A {strides = array<i32>} : memref<1024x2048xf32, #tpu.memory_space<vmem>>, vector<1024x2048xf32>,
    } else {
    }
    %eq3A_38 = arith.constant 7 : i32
    %eq3A_39 = arith.cmpi eq, %arg1, %eq3A_38 : i32
    %convert_element_type3A_40 = arith.extui %eq3A_39 : i1 to i32
    %cond3A_41 = arith.constant 0 : i32
    %cond3A_42 = arith.cmpi ne, %convert_element_type3A_40, %cond3A_41 : i32
    scf.if %cond3A_42 {
      %get3A_43 = arith.constant 0 : index
      %get3A_44 = arith.constant 0 : index
      %get3A_45 = vector.load %arg7[%get3A_43, %get3A_44] : memref<1024x2048xf32, #tpu.memory_space<vmem>>, vector<1024x2048xf32>
      %convert_element_type3A_46 = arith.truncf %get3A_45 : vector<1024x2048xf32> to vector<1024x2048xbf16>
      %swap3A = arith.constant 0 : index
      %swap3A_47 = arith.constant 0 : index
      %swap3A_48 = vector.load %arg6[%swap3A, %swap3A_47] : memref<1024x2048xbf16, #tpu.memory_space<vmem>>, vector<1024x2048xbf16>
      tpu.vector_store %arg6[%swap3A, %swap3A_47], %convert_element_type3A_46 {strides = array<i32>} : memref<1024x2048xbf16, #tpu.memory_space<vmem>>, vector<1024x2048xbf16>,
    } else {
    }
    return
  }
  func.func @transform_0(%arg0: i32, %arg1: i32) -> (i32, i32) {
    %c0_i32 = arith.constant 0 : i32
    %c0_i32_0 = arith.constant 0 : i32
    return %arg0, %c0_i32 : i32, i32
  }
  func.func @transform_1(%arg0: i32, %arg1: i32) -> (i32, i32, i32) {
    %c0_i32 = arith.constant 0 : i32
    %c0_i32_0 = arith.constant 0 : i32
    %c0_i32_1 = arith.constant 0 : i32
    return %arg1, %c0_i32, %c0_i32_0 : i32, i32, i32
  }
  func.func @transform_2(%arg0: i32, %arg1: i32) -> (i32, i32, i32) {
    %c0_i32 = arith.constant 0 : i32
    %c0_i32_0 = arith.constant 0 : i32
    %c0_i32_1 = arith.constant 0 : i32
    return %arg1, %c0_i32, %c0_i32_0 : i32, i32, i32
  }
  func.func @transform_3(%arg0: i32, %arg1: i32) -> (i32, i32) {
    %c0_i32 = arith.constant 0 : i32
    %c0_i32_0 = arith.constant 0 : i32
    return %arg0, %c0_i32 : i32, i32
  }
  func.func @transform_4(%arg0: i32, %arg1: i32) -> (i32, i32) {
    %c0_i32 = arith.constant 0 : i32
    %c0_i32_0 = arith.constant 0 : i32
    return %arg0, %c0_i32 : i32, i32
  }
}

</mosaic_0001>

<sc_bundles>
// kernel: sparse-core-data-format-call.cloned.1.call-start
scs
called_computation_lowered:
.L_overlay_start_0:
0x0: {  	s2 =	sld [smem:$0x3FD9]  }
0x1: {  	s3 =	sld [smem:$0x3FFE];
	_ =	sdelay $0x1  }
0x2: {  	s1 =	srdreg.scid  }
0x3: {  	s0 =	sand.u32 $0x1, s1  }
0x4: {  	s18 =	sshll.u32 s0, $0xA;
	s2 =	sadd.s32 s3, s2  }
0x5: {  	s2 =	sadd.s32 s2, s18  }
0x6: {  	[smem:$0x3FC4] =	sst s2  }
0x7: {  	_ = 	snop  }
0x8: {  	s2 =	sld [smem:$0x3FD0];
	(tm) =	ssettm $0x1  }
0x9: {  	s19 =	sld [smem:$0x3FFB];
	_ =	sdelay $0x3  }
0xa: {  	_ =	strace s19  }
0xb: {  	s3 =	sld [smem:$0x3FFC];
	_ =	sdelay $0x3  }
0xc: {  	_ =	strace s3  }
0xd: {  	s3 =	sld [smem:$0x3FFD];
	_ =	sdelay $0x3  }
0xe: {  	_ =	strace s3  }
0xf: {  	_ =	strace $0x8FFFFFFF  }
0x10: {  	s20 =	sld [smem:$0x3FDB];
	_ =	sdelay $0x1  }
0x11: {  	s4 =	simm.s32 $_scs_section_size  }
0x12: {  	s5 =	simm.s32 $_size__tile_overlayer_lowered;
	s6 =	simm.s32 $_tile_overlayer_lowered  }
0x13: {  	s23 =	simm.s32 $0x1BFF;
	s22 =	sshll.u32 s6, $0x1;
	s3 =	sadd.s32 s4, s20  }
0x14: {  	s7 =	simm.s32 $0x0;
	s21 =	sshll.u32 s5, $0x1;
	s5 =	sadd.s32 s22, s3  }
0x15: {  	[timem:s7], [sflag:s23] =	dma.local [hbm:s5], s21  }
0x16: {  	_ =	swait.ge [sflag:s23], s21  }
0x17: {  	s4 =	ssub.s32 $0x0, s21;
	[sflag:s23] =	ssyncset.done $0x0  }
0x18: {  	[sflag:s23] =	ssyncadd.s32 s4;
	_ =	sdelay $0x1  }
0x19: {  	s24 =	simm.s32 $0x1B8B  }
0x1a: {  	_ =	swait.ge [sflag:s24], $0x1  }
0x1b: {  	[sflag:s24] =	ssyncset.done $0x0  }
0x1c: {  	s26 =	simm.s32 $0x1B8E;
	s25 =	sld [smem:$0x3FFE];
	[sflag:s24] =	ssyncadd.s32 $0xFFFFFFFF  }
0x1d: {  	s27 =	simm.s32 $execute0_lowered;
	[smem:$0x3FD2] =	sst s26  }
0x1e: {  	s5 =	sshll.u32 s27, $0x1;
	_ =	strace $0x80000046;
	[dreg:$0x1] =	wrdreg $0xFFFFFFFF  }
0x1f: {  	s28 =	simm.s32 $_size_execute0_lowered;
	s3 =	sadd.s32 s3, s5;
	[dreg:$0x0] =	wrdreg $0x0  }
0x20: {  	s5 =	sshll.u32 s28, $0x1;
	[dreg:$0x2] =	wrdreg s3  }
0x21: {  	[dreg:$0x3] =	wrdreg s5  }
0x22: {  	[dreg:$0x4] =	wrdreg $0xC0  }
0x23: {  	_ =	task [dreg:s7], $0x5FFFF  }
0x24: {  	[dreg:$0x1] =	wrdreg $0xFFFFFFFF  }
0x25: {  	[dreg:$0x0] =	wrdreg $0x60  }
0x26: {  	[dreg:$0x2] =	wrdreg s25  }
0x27: {  	[dreg:$0x3] =	wrdreg s2  }
0x28: {  	[dreg:$0x4] =	wrdreg $0x9  }
0x29: {  	_ =	task.clear_ibuf [dreg:s7], $0x5FFFF;
	_ =	strace $0x90000046  }
0x2a: {  	s29 =	simm.s32 $0x9;
	_ =	strace $0x80000048  }
0x2b: {  	_ =	swait.ge [sflag:s29], $0x1  }
0x2c: {  	[sflag:s29] =	ssyncadd.s32 $0xFFFFFFFF  }
0x2d: {  	_ =	strace $0x90000048  }
0x2e: {  	_ =	sfence  }
0x2f: {  	s30 =	sld [smem:$0x0];
	_ =	sdelay $0x2  }
0x30: {  	s31 =	sshll.u32 s1, $0xD;
	s1 =	sshrl.u32 s1, $0x2  }
0x31: {  	s3 =	sand.u32 $0x4000, s31;
	s1 =	sadd.s32 s1, s30  }
0x32: {  	s0 =	sor.u32 s3, s0;
	s1 =	sshll.u32 s1, $0x11  }
0x33: {  	s0 =	sor.u32 s1, s0  }
0x34: {  	s0 =	sadd.s32 $0x8F2B, s0  }
0x35: {  	[sflag:s0] =	ssyncadd.remote.s32 $0x1  }
0x36: {  	_ =	sfence.sel $0xFFFF  }
0x37: {  	[dreg:$0x0] =	wrdreg $0xFFFFFFFF;
	(pc) =	sbr.abs _section_cstart, $3  }
0x38: {  	[dreg:$0x1] =	wrdreg $0xFFFFFFFF  }
0x39: {  	_ =	task.clear_ibuf [dreg:s7], $0x2FFFF;
	_ =	strace $0x9FFFFFFF  }
0x3a: {  	(tm) =	ssettm $0x7FFFFFFF  }
0x3b: {  	_ =	shalt  }
tec
execute0_lowered:
.L_overlay_start_1:
0x0: {  	(tag) =	ssettag $0x1  }
0x1: {  	s0 =	srdreg.scid  }
0x2: {  	s1 =	sshll.u32 s0, $0x4  }
0x3: {  	s4 =	rddreg [dreg:$0x0];
	s0 =	stileid.u32;
	s1 =	sand.u32 $0x10, s1  }
0x4: {  	s2 =	rddreg [dreg:$0x1];
	s7 =	simm.s32 $0x1;
	s1 =	sor.u32 s0, s1  }
0x5: {  	s8 =	simm.s32 $0x2;
	s9 =	simm.s32 $0x0;
	s3 =	sshll.u32 s1, $0x3  }
0x6: {  	s12 =	simm.s32 $0x0;
	s11 =	simm.s32 $0x0;
	s6 =	ssub.s32 $0x1000, s3  }
.Ltmp0:
0x7: {  	s4 =	sadd.s32 $0x400, s4;
	s5 =	sand.u32 $0xF8, s6;
	(pc) =	sbr.rel .LBB1_1-.Ltmp0, $4  }
0x8: {  	s1 =	rddreg [dreg:$0x2];
	_ =	strace $0x80000047;
	p0 =	sne.s32 s5, $0x0  }
0x9: {  	s6 =	sshrl.u32 s6, $0x8;
	s5 =	simm.s32 $0x1;
	s7 =	simm.s32 @!p0 $0x0  }
0xa: {  	s10 =	smov.u32 s3;
	[sflag:s5] =	ssyncpa.u1 $0x0;
	s6 =	sadd.s32 s7, s6  }
0xb: {  	[sflag:s8] =	ssyncpa.u1 $0x0;
	s8 =	simm.s32 $0x0;
	s7 =	sadd.s32 $0x1, s6  }
.LBB1_7:
0xc: {  	s14 =	sadd.s32 $0x100, s10  }
0xd: {  	p1 =	sgt.s32 s14, $0xFFF  }
0xe: {  	s14 =	smov.u32 @p1 s3;
	p1 =	sne.s32 s11, s7  }
.Ltmp1:
0xf: {  	p0 =	slt.u32 s11, $0x2;
	(pc) =	sbr.rel @!p1 .LBB1_8-.Ltmp1, $4  }
0x10: {  	s13 =	simm.s32 @!p0 $0x2  }
0x11: {  	s15 =	sadd.s32 $0x1, s11;
	_ =	swait.ge @!p0 [sflag:s13], $0x4000  }
0x12: {  	s12 =	smov.u32 s10;
	s9 =	sadd.s32 $0x4000, s9;
	[sflag:s13] =	ssyncset.done @!p0 $0x0  }
0x13: {  	s11 =	smov.u32 s15;
	s10 =	smov.u32 s14;
	[sflag:s13] =	ssyncadd.s32 @!p0 $0xFFFFC000  }
.LBB1_1:
0x14: {  	p0 =	sge.u32 s11, s6  }
0x15: {  	s31 =	sadd.s32 $0xFFFFFFFF, s11;
	s13 =	sshll.u32 @!p0 s10, $0x4  }
0x16: {  	s14 =	sxor.u32 @!p0 $0xFFFFFFFF, s11;
	s15 =	sshll.u32 @!p0 s10, $0x8;
	s13 =	sand.u32 @!p0 $0x70, s13  }
0x17: {  	s14 =	sshll.u32 @!p0 s14, $0xE;
	s15 =	sand.u32 @!p0 $0xFF800, s15;
	s13 =	sadd.s32 @!p0 s4, s13  }
0x18: {  	s14 =	sand.u32 @!p0 $0x4000, s14;
	s13 =	sadd.s32 @!p0 s15, s13;
	s15 =	simm.s32 @!p0 $0x0  }
0x19: {  	[tilespmem:s14], [sflag:$0x1] =	stream.linear.gather @!p0 [hbm4b:s13+s15], $0x4000, $0x38;
	[tilespmem:$0x10000] =	vst v63  }
0x1a: {  	p0 =	sge.u32 s31, s6  }
.Ltmp2:
0x1b: {  	_ = 	snop;
	(pc) =	sbr.rel @p0 .LBB1_7-.Ltmp2, $1  }
0x1c: {  	_ =	sdelay $0x3  }
0x1d: {  	s14 =	sand.u32 $0x4000, s9  }
0x1e: {  	_ =	swait.ge [sflag:s5], $0x4000;
	s15 =	sshll.u32 s11, $0xE;
	s16 =	simm.s32 $0x0  }
0x1f: {  	s13 =	sor.u32 $0x8100, s14;
	[sflag:s5] =	ssyncset.done $0x0;
	s15 =	sand.u32 $0x4000, s15  }
0x20: {  	s14 =	sor.u32 $0x800, s14;
	[sflag:s5] =	ssyncadd.s32 $0xFFFFC000;
	s15 =	sor.u32 $0x8000, s15  }
.LBB1_3:
0x21: {  	v0 =	vld [tilespmem:s14+$0x470]  }
0x22: {  	v1 =	vld [tilespmem:s14+$0xFFFFF810]  }
0x23: {  	v2 =	vld [tilespmem:s14+$0xFFFFF820]  }
0x24: {  	v3 =	vld [tilespmem:s14+$0xFFFFF830]  }
0x25: {  	v4 =	vld [tilespmem:s14+$0xFFFFF840]  }
0x26: {  	v5 =	vld [tilespmem:s14+$0xFFFFF850];
	[tilespmem:s13+$0xF0] =	vst v0  }
0x27: {  	[tilespmem:s13+$0xFFFFFF10] =	vst v1;
	v0 =	vld [tilespmem:s14+$0xFFFFF860]  }
0x28: {  	[tilespmem:s13+$0xFFFFFF20] =	vst v2;
	v1 =	vld [tilespmem:s14+$0xFFFFF870]  }
0x29: {  	[tilespmem:s13+$0xFFFFFF30] =	vst v3;
	v2 =	vld [tilespmem:s14+$0xFFFFFC00]  }
0x2a: {  	[tilespmem:s13+$0xFFFFFF40] =	vst v4;
	v3 =	vld [tilespmem:s14+$0xFFFFFC10]  }
0x2b: {  	[tilespmem:s13+$0xFFFFFF50] =	vst v5;
	v4 =	vld [tilespmem:s14+$0xFFFFFC20]  }
0x2c: {  	v5 =	vld [tilespmem:s14+$0x420];
	[tilespmem:s13+$0xFFFFFF60] =	vst v0  }
0x2d: {  	v0 =	vld [tilespmem:s14+$0xFFFFFC30];
	[tilespmem:s13+$0xFFFFFF70] =	vst v1  }
0x2e: {  	v1 =	vld [tilespmem:s14+$0xFFFFFC40];
	[tilespmem:s13+$0xFFFFFF80] =	vst v2  }
0x2f: {  	[tilespmem:s13+$0xFFFFFF90] =	vst v3;
	v3 =	vld [tilespmem:s14+$0xFFFFFC60]  }
0x30: {  	[tilespmem:s13+$0xFFFFFFA0] =	vst v4;
	v4 =	vld [tilespmem:s14+$0xFFFFFC70]  }
0x31: {  	v2 =	vld [tilespmem:s14+$0xFFFFFC50];
	[tilespmem:s13+$0xA0] =	vst v5  }
0x32: {  	[tilespmem:s13+$0xFFFFFFB0] =	vst v0;
	v0 =	vld [tilespmem:s14+$0x0]  }
0x33: {  	[tilespmem:s13+$0xFFFFFFC0] =	vst v1;
	v1 =	vld [tilespmem:s14+$0x10]  }
0x34: {  	[tilespmem:s13+$0xFFFFFFE0] =	vst v3;
	v3 =	vld [tilespmem:s14+$0x30]  }
0x35: {  	[tilespmem:s13+$0xFFFFFFF0] =	vst v4;
	v4 =	vld [tilespmem:s14+$0x40]  }
0x36: {  	[tilespmem:s13+$0xFFFFFFD0] =	vst v2;
	v2 =	vld [tilespmem:s14+$0x20]  }
0x37: {  	[tilespmem:s13+$0x0] =	vst v0;
	v0 =	vld [tilespmem:s14+$0x50]  }
0x38: {  	[tilespmem:s13+$0x10] =	vst v1;
	v1 =	vld [tilespmem:s14+$0x60]  }
0x39: {  	[tilespmem:s13+$0x30] =	vst v3;
	v3 =	vld [tilespmem:s14+$0x400]  }
0x3a: {  	[tilespmem:s13+$0x40] =	vst v4;
	v4 =	vld [tilespmem:s14+$0x410]  }
0x3b: {  	[tilespmem:s13+$0x20] =	vst v2;
	v2 =	vld [tilespmem:s14+$0x70]  }
0x3c: {  	[tilespmem:s13+$0x50] =	vst v0;
	v0 =	vld [tilespmem:s14+$0x430]  }
0x3d: {  	[tilespmem:s13+$0x60] =	vst v1;
	v1 =	vld [tilespmem:s14+$0x440]  }
0x3e: {  	[tilespmem:s13+$0x80] =	vst v3;
	v3 =	vld [tilespmem:s14+$0x450]  }
0x3f: {  	[tilespmem:s13+$0x90] =	vst v4;
	v4 =	vld [tilespmem:s14+$0x460]  }
0x40: {  	s18 =	simm.s32 $0x0;
	s19 =	sadd.s32 $0x1000, s14;
	s17 =	smov.u32 s13;
	[tilespmem:s13+$0x70] =	vst v2;
	v2 =	vld [tilespmem:s14+$0xFFFFF800]  }
.LBB1_4:
0x41: {  	v5 =	vld [tilespmem:s19+$0x470];
	s18 =	sadd.s32 $0x200, s18;
	[tilespmem:s17+$0xB0] =	vst v0  }
0x42: {  	v0 =	vld [tilespmem:s19+$0xFFFFF810];
	p0 =	slt.u32 s18, $0x600;
	[tilespmem:s17+$0xC0] =	vst v1  }
0x43: {  	v1 =	vld [tilespmem:s19+$0xFFFFF820];
	[tilespmem:s17+$0xD0] =	vst v3  }
0x44: {  	v3 =	vld [tilespmem:s19+$0xFFFFF830];
	[tilespmem:s17+$0xE0] =	vst v4  }
0x45: {  	v4 =	vld [tilespmem:s19+$0xFFFFF840];
	[tilespmem:s17+$0xFFFFFF00] =	vst v2;
	s17 =	sadd.s32 $0x200, s17  }
0x46: {  	v2 =	vld [tilespmem:s19+$0xFFFFF850];
	[tilespmem:s17+$0xF0] =	vst v5  }
0x47: {  	[tilespmem:s17+$0xFFFFFF10] =	vst v0;
	v0 =	vld [tilespmem:s19+$0xFFFFF860]  }
0x48: {  	[tilespmem:s17+$0xFFFFFF20] =	vst v1;
	v1 =	vld [tilespmem:s19+$0xFFFFF870]  }
0x49: {  	[tilespmem:s17+$0xFFFFFF30] =	vst v3;
	v3 =	vld [tilespmem:s19+$0xFFFFFC00]  }
0x4a: {  	[tilespmem:s17+$0xFFFFFF40] =	vst v4;
	v4 =	vld [tilespmem:s19+$0xFFFFFC10]  }
0x4b: {  	[tilespmem:s17+$0xFFFFFF50] =	vst v2;
	v2 =	vld [tilespmem:s19+$0xFFFFFC20]  }
0x4c: {  	[tilespmem:s17+$0xFFFFFF60] =	vst v0;
	v0 =	vld [tilespmem:s19+$0xFFFFFC30]  }
0x4d: {  	[tilespmem:s17+$0xFFFFFF70] =	vst v1;
	v1 =	vld [tilespmem:s19+$0xFFFFFC40]  }
0x4e: {  	[tilespmem:s17+$0xFFFFFF80] =	vst v3;
	v3 =	vld [tilespmem:s19+$0xFFFFFC50]  }
0x4f: {  	[tilespmem:s17+$0xFFFFFF90] =	vst v4;
	v4 =	vld [tilespmem:s19+$0xFFFFFC60]  }
0x50: {  	[tilespmem:s17+$0xFFFFFFA0] =	vst v2;
	v2 =	vld [tilespmem:s19+$0xFFFFFC70]  }
0x51: {  	[tilespmem:s17+$0xFFFFFFB0] =	vst v0;
	v0 =	vld [tilespmem:s19+$0x0]  }
0x52: {  	[tilespmem:s17+$0xFFFFFFC0] =	vst v1;
	v1 =	vld [tilespmem:s19+$0x10]  }
0x53: {  	[tilespmem:s17+$0xFFFFFFD0] =	vst v3;
	v3 =	vld [tilespmem:s19+$0x20]  }
0x54: {  	[tilespmem:s17+$0xFFFFFFE0] =	vst v4;
	v4 =	vld [tilespmem:s19+$0x30]  }
0x55: {  	[tilespmem:s17+$0xFFFFFFF0] =	vst v2;
	v2 =	vld [tilespmem:s19+$0x40]  }
0x56: {  	[tilespmem:s17+$0x0] =	vst v0;
	v0 =	vld [tilespmem:s19+$0x50]  }
0x57: {  	[tilespmem:s17+$0x10] =	vst v1;
	v1 =	vld [tilespmem:s19+$0x60]  }
0x58: {  	[tilespmem:s17+$0x20] =	vst v3;
	v3 =	vld [tilespmem:s19+$0x70]  }
0x59: {  	[tilespmem:s17+$0x30] =	vst v4;
	v4 =	vld [tilespmem:s19+$0x400]  }
0x5a: {  	[tilespmem:s17+$0x40] =	vst v2;
	v2 =	vld [tilespmem:s19+$0x410]  }
0x5b: {  	[tilespmem:s17+$0x50] =	vst v0;
	v5 =	vld [tilespmem:s19+$0x420]  }
.Ltmp3:
0x5c: {  	[tilespmem:s17+$0x60] =	vst v1;
	v0 =	vld [tilespmem:s19+$0x430];
	(pc) =	sbr.rel @p0 .LBB1_4-.Ltmp3, $4  }
0x5d: {  	[tilespmem:s17+$0x70] =	vst v3;
	v1 =	vld [tilespmem:s19+$0x440]  }
0x5e: {  	[tilespmem:s17+$0x80] =	vst v4;
	v3 =	vld [tilespmem:s19+$0x450]  }
0x5f: {  	[tilespmem:s17+$0x90] =	vst v2;
	v4 =	vld [tilespmem:s19+$0x460]  }
0x60: {  	v2 =	vld [tilespmem:s19+$0xFFFFF800];
	[tilespmem:s17+$0xA0] =	vst v5;
	s19 =	sadd.s32 $0x1000, s19  }
0x61: {  	s16 =	sadd.s32 $0x1, s16  }
0x62: {  	p0 =	sne.s32 s16, $0x8  }
.Ltmp4:
0x63: {  	[tilespmem:s17+$0xB0] =	vst v0;
	(pc) =	sbr.rel @p0 .LBB1_3-.Ltmp4, $4  }
0x64: {  	[tilespmem:s17+$0xC0] =	vst v1  }
0x65: {  	[tilespmem:s17+$0xD0] =	vst v3  }
0x66: {  	[tilespmem:s17+$0xE0] =	vst v4  }
0x67: {  	s13 =	sadd.s32 $0x800, s13;
	s14 =	sadd.s32 $0x80, s14;
	[tilespmem:s17+$0xFFFFFF00] =	vst v2  }
.Ltmp5:
0x68: {  	(pc) =	sbr.rel .LBB1_7-.Ltmp5, $4  }
0x69: {  	_ = 	snop  }
0x6a: {  	s12 =	sshll.u32 s12, $0x8  }
0x6b: {  	s12 =	sadd.s32 s2, s12  }
0x6c: {  	[hbm4b:s12+s8] =	stream.linear.scatter [tilespmem:s15], [sflag:$0x2], $0x4000, $0x38;
	[tilespmem:$0x10000] =	vst v63  }
.LBB1_8:
0x6d: {  	_ =	sfence.sel $0x180000  }
0x6e: {  	s2 =	simm.s32 $0x1;
	[bflag:$0x0] =	sbarrier.arrive $0xFFFF  }
0x6f: {  	s31 =	simm.s32 $0x2;
	[sflag:s2] =	ssyncpa.u1 $0x1  }
0x70: {  	[sflag:s31] =	ssyncpa.u1 $0x1  }
0x71: {  	p0 =	sne.s32 s0, $0x0;
	_ =	strace $0x90000047  }
0x72: {  	s0 =	sadd.s32 @!p0 $0x100000, s1;
	[bflag:$0x2] =	sbarrier.arrive $0xFFFF  }
0x73: {  	[sflag:s0] =	ssyncadd.tile.s32 @!p0 $0x1;
	_ =	shalt  }
.Lfunc_end1:
_tile_overlayer_lowered:
.L_overlay_start_2:
0x74: {  	(tag) =	ssettag $0x2  }
0x75: {  	s0 =	rddreg [dreg:$0x0];
	s2 =	stileid.u32  }
0x76: {  	s1 =	rddreg [dreg:$0x1];
	p0 =	sne.s32 s2, $0x0  }
0x77: {  	s3 =	rddreg [dreg:$0x2];
	[bflag:$0x3] =	sbarrier.arrive $0xFFFF;
	s2 =	simm.s32 @!p0 $0x1C01  }
0x78: {  	[timem:s3], [sflag:s2] =	dma.local @!p0 [hbm:s0], s1  }
0x79: {  	s0 =	simm.s32 @!p0 $0x1  }
0x7a: {  	_ =	swait.ge @!p0 [sflag:s0], s1  }
0x7b: {  	s1 =	ssub.s32 @!p0 $0x0, s1;
	[sflag:s0] =	ssyncset.done @!p0 $0x0  }
0x7c: {  	[sflag:s0] =	ssyncadd.s32 @!p0 s1  }
0x7d: {  	[bflag:$0x3] =	sbarrier.arrive $0xFFFF  }
0x7e: {  	_ =	shalt  }

</sc_bundles>
